<compile_context>
chip_gen: v7x
topology: tpu7x:2x2x1
jax: 0.10.2.dev20260603
libtpu: 0.0.44.dev20260713+nightly
codegen_flags: <defaults>
</compile_context>

<pallas_src>
import functools

import jax
import jax.numpy as jnp
from jax import lax
from jax.experimental import pallas as pl
from jax.experimental.pallas import tpu as pltpu
from jax.experimental.pallas import tpu_sc as plsc

_PRE_NMS_THRESH = 0.05
_PRE_NMS_TOP_N = 1000
_NUM_CLASSES = 80
_IMG_H, _IMG_W = 800, 1088
_STRIDE = 8.0

_KT = 40
_TBL_D = 128


def _score_body(cls_ref, ctr_ref, pix_ref, scores_ref, smax_ref, pixaug_ref):
    cls = jax.nn.sigmoid(cls_ref[0])
    ctr = jax.nn.sigmoid(ctr_ref[0])
    s = jnp.where(cls > _PRE_NMS_THRESH, cls * ctr, 0.0)
    scores_ref[0] = s
    smax_ref[0] = jnp.max(s, axis=1, keepdims=True)
    pix = pix_ref[0]
    pn = jnp.sum(pix * pix, axis=1, keepdims=True)
    pixaug_ref[0] = jnp.concatenate([pix, pn], axis=1)


def _mask_body(idx_ref, rows_ref, pixaug_ref, masks_ref, boxes_ref, labels_ref):
    idxc = idx_ref[0]
    labels_ref[0] = idxc % _NUM_CLASSES + 1
    crow = idxc // _NUM_CLASSES

    allrows = rows_ref[0]
    kp = allrows.shape[0]
    kt = idxc.shape[0]
    oh = (lax.broadcasted_iota(jnp.int32, (kt, kp), 1) == crow)
    rows = lax.dot_general(
        oh.astype(jnp.float32), allrows, (((1,), (0,)), ((), ())),
        precision=lax.Precision.HIGHEST,
        preferred_element_type=jnp.float32)
    loc_x = rows[:, 0:1]
    loc_y = rows[:, 1:2]
    x0 = jnp.clip(loc_x - rows[:, 2:3], 0.0, _IMG_W - 1.0)
    y0 = jnp.clip(loc_y - rows[:, 3:4], 0.0, _IMG_H - 1.0)
    x1 = jnp.clip(loc_x + rows[:, 4:5], 0.0, _IMG_W - 1.0)
    y1 = jnp.clip(loc_y + rows[:, 5:6], 0.0, _IMG_H - 1.0)
    boxes_ref[0] = jnp.concatenate([x0, y0, x1, y1], axis=1)

    emb = rows[:, 6:38]
    mar = rows[:, 38:39]
    en = jnp.sum(emb * emb, axis=1, keepdims=True)

    pixaug = pixaug_ref[0]
    emb_aug = jnp.concatenate(
        [-2.0 * emb, jnp.ones_like(mar)], axis=1)
    d2 = en + lax.dot_general(
        emb_aug, pixaug, (((1,), (1,)), ((), ())),
        precision=lax.Precision.HIGHEST,
        preferred_element_type=jnp.float32)
    prob = jnp.exp(-d2 * mar)

    hw = pixaug.shape[0]
    kt = rows.shape[0]
    m = lax.broadcasted_iota(jnp.int32, (kt, hw), 1)
    xg = (m % 136).astype(jnp.float32)
    yg = (m // 136).astype(jnp.float32)
    inv = 1.0 / _STRIDE
    window = ((xg >= x0 * inv) & (xg <= x1 * inv)
              & (yg >= y0 * inv) & (yg <= y1 * inv))
    masks_ref[0] = prob * window.astype(jnp.float32)


def _sc_gather(table, idx):
    info = plsc.get_sparse_core_info()
    nw = info.num_cores * info.num_subcores
    b = idx.shape[0]
    b_per_w = b // nw
    mesh = plsc.VectorSubcoreMesh(core_axis_name="c", subcore_axis_name="s")

    @functools.partial(
        pl.kernel, mesh=mesh,
        out_type=jax.ShapeDtypeStruct((b, _TBL_D), jnp.float32),
        scratch_types=[
            pltpu.VMEM((b_per_w,), jnp.int32),
            pltpu.VMEM((b_per_w, _TBL_D), jnp.float32),
            pltpu.SemaphoreType.DMA,
        ],
    )
    def gk(table_hbm, idx_hbm, out_hbm, idx_v, rows_v, sem):
        wid = lax.axis_index("s") * info.num_cores + lax.axis_index("c")
        base = wid * b_per_w
        pltpu.sync_copy(idx_hbm.at[pl.ds(base, b_per_w)], idx_v)
        pltpu.async_copy(table_hbm.at[idx_v], rows_v, sem).wait()
        pltpu.sync_copy(rows_v, out_hbm.at[pl.ds(base, b_per_w)])

    return gk(table, idx)


def kernel(locations, box_cls, box_regression, centerness, proposal_embed,
           proposal_margin, pixel_embed):
    n, c, h, w = box_cls.shape
    d = proposal_embed.shape[1]
    hw = h * w
    k = _PRE_NMS_TOP_N

    cls_t = box_cls.transpose(0, 2, 3, 1).reshape(n, hw, c)
    ctr_t = centerness.transpose(0, 2, 3, 1).reshape(n, hw, 1)
    pix_t = pixel_embed.transpose(0, 2, 3, 1).reshape(n, hw, d)

    hw_t = 3400
    scores, smax, pixaug = pl.pallas_call(
        _score_body,
        grid=(n, hw // hw_t),
        in_specs=[
            pl.BlockSpec((1, hw_t, c), lambda i, j: (i, j, 0)),
            pl.BlockSpec((1, hw_t, 1), lambda i, j: (i, j, 0)),
            pl.BlockSpec((1, hw_t, d), lambda i, j: (i, j, 0)),
        ],
        out_specs=[
            pl.BlockSpec((1, hw_t, c), lambda i, j: (i, j, 0)),
            pl.BlockSpec((1, hw_t, 1), lambda i, j: (i, j, 0)),
            pl.BlockSpec((1, hw_t, d + 1), lambda i, j: (i, j, 0)),
        ],
        out_shape=[
            jax.ShapeDtypeStruct((n, hw, c), jnp.float32),
            jax.ShapeDtypeStruct((n, hw, 1), jnp.float32),
            jax.ShapeDtypeStruct((n, hw, d + 1), jnp.float32),
        ],
    )(cls_t, ctr_t, pix_t)

    _, loc_top = lax.top_k(smax.reshape(n, hw), k)
    loc_top = jnp.sort(loc_top, axis=1)

    reg_t = box_regression.transpose(0, 2, 3, 1).reshape(n, hw, 4)
    emb_t = proposal_embed.transpose(0, 2, 3, 1).reshape(n, hw, d)
    mar_t = proposal_margin.transpose(0, 2, 3, 1).reshape(n, hw, 1)
    loc_b = jnp.broadcast_to(locations[None], (n, hw, 2))
    nf = 2 + 4 + d + 1
    pad = jnp.zeros((n, hw, _TBL_D - nf - c), jnp.float32)
    table = jnp.concatenate([loc_b, reg_t, emb_t, mar_t, scores, pad],
                            axis=2).reshape(n * hw, _TBL_D)

    kp = 1024
    idx_pad = jnp.pad(loc_top + jnp.arange(n, dtype=jnp.int32)[:, None] * hw,
                      ((0, 0), (0, kp - k))).reshape(n * kp)
    rows = _sc_gather(table, idx_pad).reshape(n, kp, _TBL_D)

    cand = rows[:, :k, nf:nf + c].reshape(n, k * c)
    top_scores, cidx = lax.top_k(cand, k)

    masks, boxes, labels = pl.pallas_call(
        _mask_body,
        grid=(n, k // _KT),
        in_specs=[
            pl.BlockSpec((1, _KT, 1), lambda i, j: (i, j, 0)),
            pl.BlockSpec((1, kp, _TBL_D), lambda i, j: (i, 0, 0)),
            pl.BlockSpec((1, hw, d + 1), lambda i, j: (i, 0, 0)),
        ],
        out_specs=[
            pl.BlockSpec((1, _KT, hw), lambda i, j: (i, j, 0)),
            pl.BlockSpec((1, _KT, 4), lambda i, j: (i, j, 0)),
            pl.BlockSpec((1, _KT, 1), lambda i, j: (i, j, 0)),
        ],
        out_shape=[
            jax.ShapeDtypeStruct((n, k, hw), jnp.float32),
            jax.ShapeDtypeStruct((n, k, 4), jnp.float32),
            jax.ShapeDtypeStruct((n, k, 1), jnp.int32),
        ],
    )(cidx[:, :, None], rows, pixaug)

    return (boxes, top_scores, labels.reshape(n, k),
            masks.reshape(n, k, h, w))

# --- scband reference (transcript-rebuilt; emitter-appended) ---
"""Pipeline reference for scband-embed-mask-post-processor-82626580841058 (READ-ONLY COPY).

The authoritative reference and input builder live on the scoring server;
editing this copy changes nothing except your own understanding.
"""

import jax, jax.numpy as jnp
import numpy as np

PRE_NMS_THRESH = 0.05
PRE_NMS_TOP_N = 1000
NUM_CLASSES = 80
MASK_SCALE_FACTOR = 1
FPN_STRIDE = 8
IMG_H, IMG_W = 800, 1088


def setup_inputs(seed: int = 0) -> dict:
    key = jax.random.key(seed)
    ks = jax.random.split(key, 7)
    H, W, D, N, C = 100, 136, 32, 2, NUM_CLASSES
    locations = jax.random.uniform(ks[0], (H * W, 2), dtype=jnp.float32) * jnp.array([IMG_W, IMG_H], dtype=jnp.float32)
    box_cls = jax.random.normal(ks[1], (N, C, H, W), dtype=jnp.float32)
    box_regression = jax.random.uniform(ks[2], (N, 4, H, W), dtype=jnp.float32) * 64.0
    centerness = jax.random.normal(ks[3], (N, 1, H, W), dtype=jnp.float32)
    proposal_embed = jax.random.normal(ks[4], (N, D, H, W), dtype=jnp.float32)
    proposal_margin = jax.random.uniform(ks[5], (N, 1, H, W), dtype=jnp.float32) * 0.5 + 0.05
    pixel_embed = jax.random.normal(ks[6], (N, D, H, W), dtype=jnp.float32)
    return {
        'locations': locations,
        'box_cls': box_cls,
        'box_regression': box_regression,
        'centerness': centerness,
        'proposal_embed': proposal_embed,
        'proposal_margin': proposal_margin,
        'pixel_embed': pixel_embed,
    }


def reference(locations, box_cls, box_regression, centerness, proposal_embed, proposal_margin, pixel_embed):
    N, C, H, W = box_cls.shape
    D = proposal_embed.shape[1]
    # --- forward_for_single_feature_map (fixed-shape translation) ---
    cls = jax.nn.sigmoid(box_cls).transpose(0, 2, 3, 1).reshape(N, H * W, C)
    reg = box_regression.transpose(0, 2, 3, 1).reshape(N, H * W, 4)
    ctr = jax.nn.sigmoid(centerness).transpose(0, 2, 3, 1).reshape(N, H * W)
    emb = proposal_embed.transpose(0, 2, 3, 1).reshape(N, H * W, D)
    mar = proposal_margin.transpose(0, 2, 3, 1).reshape(N, H * W)
    cand = cls > PRE_NMS_THRESH
    scores = cls * ctr[:, :, None]
    flat = jnp.where(cand, scores, 0.0).reshape(N, H * W * C)
    top_scores, top_idx = jax.lax.top_k(flat, PRE_NMS_TOP_N)
    loc_idx = top_idx // C
    labels = top_idx % C + 1
    per_reg = jnp.take_along_axis(reg, loc_idx[:, :, None], axis=1)
    per_loc = locations[loc_idx]
    per_emb = jnp.take_along_axis(emb, loc_idx[:, :, None], axis=1)
    per_mar = jnp.take_along_axis(mar, loc_idx, axis=1)
    boxes = jnp.stack([
        per_loc[..., 0] - per_reg[..., 0],
        per_loc[..., 1] - per_reg[..., 1],
        per_loc[..., 0] + per_reg[..., 2],
        per_loc[..., 1] + per_reg[..., 3],
    ], axis=-1)
    # clip_to_image
    boxes = jnp.stack([
        jnp.clip(boxes[..., 0], 0.0, IMG_W - 1.0),
        jnp.clip(boxes[..., 1], 0.0, IMG_H - 1.0),
        jnp.clip(boxes[..., 2], 0.0, IMG_W - 1.0),
        jnp.clip(boxes[..., 3], 0.0, IMG_H - 1.0),
    ], axis=-1)
    # --- forward_for_mask ---
    stride = FPN_STRIDE / MASK_SCALE_FACTOR
    mask_boxes = boxes / stride
    m_h, m_w = pixel_embed.shape[-2:]
    xg = jnp.arange(m_w, dtype=jnp.float32)[None, None, None, :]
    yg = jnp.arange(m_h, dtype=jnp.float32)[None, None, :, None]
    box_masks = ((xg >= mask_boxes[..., 0, None, None]) & (xg <= mask_boxes[..., 2, None, None])
                 & (yg >= mask_boxes[..., 1, None, None]) & (yg <= mask_boxes[..., 3, None, None]))
    # compute_mask_prob: ||p - e||^2 expanded as ||p||^2 + ||e||^2 - 2 p.e (identical math, memory-safe)
    pix = pixel_embed.transpose(0, 2, 3, 1).reshape(N, m_h * m_w, D)
    d2 = (jnp.sum(per_emb ** 2, axis=-1)[:, :, None]
          + jnp.sum(pix ** 2, axis=-1)[:, None, :]
          - 2.0 * jnp.einsum('nkd,nmd->nkm', per_emb, pix))
    mask_prob = jnp.exp(-d2 * per_mar[:, :, None]).reshape(N, PRE_NMS_TOP_N, m_h, m_w)
    masks = mask_prob * box_masks.astype(jnp.float32)
    return boxes, top_scores, labels, masks

if __name__ == "__main__":
    import jax
    _d = setup_inputs()
    print(jax.jit(kernel)(*tuple(_d.values())))

</pallas_src>

<mosaic_0001>
#map = affine_map<(d0, d1) -> (0, 0)>
#map1 = affine_map<(d0, d1) -> (0)>
module attributes {stable_mosaic.version = 14 : i64} {
  func.func @gk(%arg0: i32, %arg1: i32, %arg2: memref<27200x128xf32, #tpu.memory_space<hbm>>, %arg3: memref<2048xi32, #tpu.memory_space<hbm>>, %arg4: memref<2048x128xf32, #tpu.memory_space<hbm>>, %arg5: memref<64xi32, #tpu.memory_space<vmem>>, %arg6: memref<64x128xf32, #tpu.memory_space<vmem>>, %arg7: memref<!tpu.dma_semaphore, #tpu.memory_space<semaphore_mem>>) attributes {dimension_semantics = [#tpu.dimension_semantics<core_parallel>, #tpu.dimension_semantics<subcore_parallel>], iteration_bounds = array<i64: 2, 16>, scalar_prefetch = 0 : i64, scratch_operands = 3 : i64, tpu.core_type = #tpu.core_type<sc_vector_subcore>, window_params = [{transform_indices = #map}, {transform_indices = #map1}, {transform_indices = #map}]} {
    %mul3A = arith.constant 2 : i32
    %mul3A_0 = arith.muli %arg1, %mul3A : i32
    %add3A = arith.addi %mul3A_0, %arg0 : i32
    %mul3A_1 = arith.constant 64 : i32
    %mul3A_2 = arith.muli %add3A, %mul3A_1 : i32
    "tpu.region"() ({
      %run_scoped3A = tpu.sem_alloc : memref<!tpu.dma_semaphore, #tpu.memory_space<semaphore_mem>>
      %dma_start3A_7 = tpu.memref_slice %arg3[%mul3A_2] : memref<2048xi32, #tpu.memory_space<hbm>> -> memref<64xi32, #tpu.memory_space<hbm>>
      %dma_start3A_8 = tpu.memref_slice %arg3[%mul3A_2] : memref<2048xi32, #tpu.memory_space<hbm>> -> memref<64xi32, #tpu.memory_space<hbm>>
      tpu.enqueue_dma source(%dma_start3A_8 : memref<64xi32, #tpu.memory_space<hbm>>) target(%arg5 : memref<64xi32, #tpu.memory_space<vmem>>) target_semaphore(%run_scoped3A : memref<!tpu.dma_semaphore, #tpu.memory_space<semaphore_mem>>)
      %dma_wait3A_9 = tpu.memref_slice %arg3[%mul3A_2] : memref<2048xi32, #tpu.memory_space<hbm>> -> memref<64xi32, #tpu.memory_space<hbm>>
      %dma_wait3A_10 = tpu.memref_slice %arg3[%mul3A_2] : memref<2048xi32, #tpu.memory_space<hbm>> -> memref<64xi32, #tpu.memory_space<hbm>>
      tpu.wait_dma2 semaphore(%run_scoped3A : memref<!tpu.dma_semaphore, #tpu.memory_space<semaphore_mem>>) src(%dma_wait3A_10 : memref<64xi32, #tpu.memory_space<hbm>>) dst(%arg5 : memref<64xi32, #tpu.memory_space<vmem>>)
      tpu.yield
    }) : () -> ()
    %dma_start3A = arith.constant 0 : i32
    %dma_start3A_3 = arith.constant 0 : i32
    %dma_start3A_4 = tpu.memref_slice %arg2[%dma_start3A, %dma_start3A_3] : memref<27200x128xf32, #tpu.memory_space<hbm>> -> memref<27200x128xf32, #tpu.memory_space<hbm>>
    tpu.enqueue_indirect_dma source(%dma_start3A_4 : memref<27200x128xf32, #tpu.memory_space<hbm>>) target(%arg6 : memref<64x128xf32, #tpu.memory_space<vmem>>) offsets(%arg5 : memref<64xi32, #tpu.memory_space<vmem>>) semaphore(%arg7 : memref<!tpu.dma_semaphore, #tpu.memory_space<semaphore_mem>>)
    %dma_wait3A = arith.constant 0 : i32
    %dma_wait3A_5 = arith.constant 0 : i32
    %dma_wait3A_6 = tpu.memref_slice %arg2[%dma_wait3A, %dma_wait3A_5] : memref<27200x128xf32, #tpu.memory_space<hbm>> -> memref<27200x128xf32, #tpu.memory_space<hbm>>
    tpu.wait_indirect_dma semaphore(%arg7 : memref<!tpu.dma_semaphore, #tpu.memory_space<semaphore_mem>>) src(%dma_wait3A_6 : memref<27200x128xf32, #tpu.memory_space<hbm>>) dst(%arg6 : memref<64x128xf32, #tpu.memory_space<vmem>>)
    "tpu.region"() ({
      %run_scoped3A = tpu.sem_alloc : memref<!tpu.dma_semaphore, #tpu.memory_space<semaphore_mem>>
      %dma_start3A_7 = arith.constant 0 : i32
      %dma_start3A_8 = tpu.memref_slice %arg4[%mul3A_2, %dma_start3A_7] : memref<2048x128xf32, #tpu.memory_space<hbm>> -> memref<64x128xf32, #tpu.memory_space<hbm>>
      %dma_start3A_9 = arith.constant 0 : i32
      %dma_start3A_10 = tpu.memref_slice %arg4[%mul3A_2, %dma_start3A_9] : memref<2048x128xf32, #tpu.memory_space<hbm>> -> memref<64x128xf32, #tpu.memory_space<hbm>>
      tpu.enqueue_dma source(%arg6 : memref<64x128xf32, #tpu.memory_space<vmem>>) target(%dma_start3A_10 : memref<64x128xf32, #tpu.memory_space<hbm>>) target_semaphore(%run_scoped3A : memref<!tpu.dma_semaphore, #tpu.memory_space<semaphore_mem>>)
      %dma_wait3A_11 = arith.constant 0 : i32
      %dma_wait3A_12 = tpu.memref_slice %arg4[%mul3A_2, %dma_wait3A_11] : memref<2048x128xf32, #tpu.memory_space<hbm>> -> memref<64x128xf32, #tpu.memory_space<hbm>>
      %dma_wait3A_13 = arith.constant 0 : i32
      %dma_wait3A_14 = tpu.memref_slice %arg4[%mul3A_2, %dma_wait3A_13] : memref<2048x128xf32, #tpu.memory_space<hbm>> -> memref<64x128xf32, #tpu.memory_space<hbm>>
      tpu.wait_dma2 semaphore(%run_scoped3A : memref<!tpu.dma_semaphore, #tpu.memory_space<semaphore_mem>>) src(%arg6 : memref<64x128xf32, #tpu.memory_space<vmem>>) dst(%dma_wait3A_14 : memref<64x128xf32, #tpu.memory_space<hbm>>)
      tpu.yield
    }) : () -> ()
    return
  }
}

module attributes {stable_mosaic.version = 14 : i64} {
  func.func @_score_body(%arg0: i32, %arg1: i32, %arg2: memref<1x3400x80xf32, #tpu.memory_space<vmem>>, %arg3: memref<1x3400x1xf32, #tpu.memory_space<vmem>>, %arg4: memref<1x3400x32xf32, #tpu.memory_space<vmem>>, %arg5: memref<1x3400x80xf32, #tpu.memory_space<vmem>>, %arg6: memref<1x3400x1xf32, #tpu.memory_space<vmem>>, %arg7: memref<1x3400x33xf32, #tpu.memory_space<vmem>>) attributes {dimension_semantics = [#tpu.dimension_semantics<arbitrary>, #tpu.dimension_semantics<arbitrary>], iteration_bounds = array<i64: 2, 4>, scalar_prefetch = 0 : i64, scratch_operands = 0 : i64, tpu.core_type = #tpu.core_type<tc>, window_params = [{transform_indices = @transform_0, window_bounds = array<i64: 1, 3400, 80>}, {transform_indices = @transform_1, window_bounds = array<i64: 1, 3400, 1>}, {transform_indices = @transform_2, window_bounds = array<i64: 1, 3400, 32>}, {transform_indices = @transform_3, window_bounds = array<i64: 1, 3400, 80>}, {transform_indices = @transform_4, window_bounds = array<i64: 1, 3400, 1>}, {transform_indices = @transform_5, window_bounds = array<i64: 1, 3400, 33>}]} {
    %get3A = arith.constant 0 : index
    %get3A_0 = arith.constant 0 : index
    %get3A_1 = arith.constant 0 : index
    %get3A_2 = vector.load %arg2[%get3A, %get3A_0, %get3A_1] : memref<1x3400x80xf32, #tpu.memory_space<vmem>>, vector<1x3400x80xf32>
    %get3A_3 = vector.shape_cast %get3A_2 : vector<1x3400x80xf32> to vector<3400x80xf32>
    %logistic3A = arith.negf %get3A_3 : vector<3400x80xf32>
    %logistic3A_4 = math.exp %logistic3A : vector<3400x80xf32>
    %logistic3A_5 = arith.constant 1.000000e+00 : f32
    %logistic3A_6 = vector.broadcast %logistic3A_5 : f32 to vector<3400x80xf32>
    %logistic3A_7 = arith.addf %logistic3A_6, %logistic3A_4 : vector<3400x80xf32>
    %logistic3A_8 = arith.divf %logistic3A_6, %logistic3A_7 : vector<3400x80xf32>
    %get3A_9 = arith.constant 0 : index
    %get3A_10 = arith.constant 0 : index
    %get3A_11 = arith.constant 0 : index
    %get3A_12 = vector.load %arg3[%get3A_9, %get3A_10, %get3A_11] : memref<1x3400x1xf32, #tpu.memory_space<vmem>>, vector<1x3400x1xf32>
    %get3A_13 = vector.shape_cast %get3A_12 : vector<1x3400x1xf32> to vector<3400x1xf32>
    %logistic3A_14 = arith.negf %get3A_13 : vector<3400x1xf32>
    %logistic3A_15 = math.exp %logistic3A_14 : vector<3400x1xf32>
    %logistic3A_16 = arith.constant 1.000000e+00 : f32
    %logistic3A_17 = vector.broadcast %logistic3A_16 : f32 to vector<3400x1xf32>
    %logistic3A_18 = arith.addf %logistic3A_17, %logistic3A_15 : vector<3400x1xf32>
    %logistic3A_19 = arith.divf %logistic3A_17, %logistic3A_18 : vector<3400x1xf32>
    %gt3A = arith.constant 5.000000e-02 : f32
    %gt3A_20 = vector.broadcast %gt3A : f32 to vector<3400x80xf32>
    %gt3A_21 = arith.cmpf ogt, %logistic3A_8, %gt3A_20 : vector<3400x80xf32>
    %mul3A = vector.broadcast %logistic3A_19 : vector<3400x1xf32> to vector<3400x80xf32>
    %mul3A_22 = arith.mulf %logistic3A_8, %mul3A : vector<3400x80xf32>
    %jit3A = arith.constant 0.000000e+00 : f32
    %broadcast_in_dim3A = vector.broadcast %jit3A : f32 to vector<3400x80xf32>
    %select_n3A = arith.select %gt3A_21, %mul3A_22, %broadcast_in_dim3A : vector<3400x80xi1>, vector<3400x80xf32>
    %swap3A = arith.constant 0 : index
    %swap3A_23 = arith.constant 0 : index
    %swap3A_24 = arith.constant 0 : index
    %swap3A_25 = vector.load %arg5[%swap3A, %swap3A_23, %swap3A_24] : memref<1x3400x80xf32, #tpu.memory_space<vmem>>, vector<1x3400x80xf32>
    %swap3A_26 = vector.shape_cast %swap3A_25 : vector<1x3400x80xf32> to vector<3400x80xf32>
    %swap3A_27 = vector.shape_cast %select_n3A : vector<3400x80xf32> to vector<1x3400x80xf32>
    tpu.vector_store %arg5[%swap3A, %swap3A_23, %swap3A_24], %swap3A_27 {strides = array<i32>} : memref<1x3400x80xf32, #tpu.memory_space<vmem>>, vector<1x3400x80xf32>,
    %reduce_max3A = arith.constant dense<0xFF800000> : vector<3400xf32>
    %reduce_max3A_28 = vector.multi_reduction <maximumf>, %select_n3A, %reduce_max3A [1] : vector<3400x80xf32> to vector<3400xf32>
    %broadcast_in_dim3A_29 = vector.shape_cast %reduce_max3A_28 : vector<3400xf32> to vector<3400x1xf32>
    %swap3A_30 = arith.constant 0 : index
    %swap3A_31 = arith.constant 0 : index
    %swap3A_32 = arith.constant 0 : index
    %swap3A_33 = vector.load %arg6[%swap3A_30, %swap3A_31, %swap3A_32] : memref<1x3400x1xf32, #tpu.memory_space<vmem>>, vector<1x3400x1xf32>
    %swap3A_34 = vector.shape_cast %swap3A_33 : vector<1x3400x1xf32> to vector<3400x1xf32>
    %swap3A_35 = vector.shape_cast %broadcast_in_dim3A_29 : vector<3400x1xf32> to vector<1x3400x1xf32>
    tpu.vector_store %arg6[%swap3A_30, %swap3A_31, %swap3A_32], %swap3A_35 {strides = array<i32>} : memref<1x3400x1xf32, #tpu.memory_space<vmem>>, vector<1x3400x1xf32>,
    %get3A_36 = arith.constant 0 : index
    %get3A_37 = arith.constant 0 : index
    %get3A_38 = arith.constant 0 : index
    %get3A_39 = vector.load %arg4[%get3A_36, %get3A_37, %get3A_38] : memref<1x3400x32xf32, #tpu.memory_space<vmem>>, vector<1x3400x32xf32>
    %get3A_40 = vector.shape_cast %get3A_39 : vector<1x3400x32xf32> to vector<3400x32xf32>
    %mul3A_41 = arith.mulf %get3A_40, %get3A_40 : vector<3400x32xf32>
    %reduce_sum3A = arith.constant dense<0.000000e+00> : vector<3400xf32>
    %reduce_sum3A_42 = vector.multi_reduction <add>, %mul3A_41, %reduce_sum3A [1] : vector<3400x32xf32> to vector<3400xf32>
    %broadcast_in_dim3A_43 = vector.shape_cast %reduce_sum3A_42 : vector<3400xf32> to vector<3400x1xf32>
    %concatenate3A = tpu.concatenate %get3A_40, %broadcast_in_dim3A_43 in 1 : vector<3400x32xf32>, vector<3400x1xf32> -> vector<3400x33xf32>
    %swap3A_44 = arith.constant 0 : index
    %swap3A_45 = arith.constant 0 : index
    %swap3A_46 = arith.constant 0 : index
    %swap3A_47 = vector.load %arg7[%swap3A_44, %swap3A_45, %swap3A_46] : memref<1x3400x33xf32, #tpu.memory_space<vmem>>, vector<1x3400x33xf32>
    %swap3A_48 = vector.shape_cast %swap3A_47 : vector<1x3400x33xf32> to vector<3400x33xf32>
    %swap3A_49 = vector.shape_cast %concatenate3A : vector<3400x33xf32> to vector<1x3400x33xf32>
    tpu.vector_store %arg7[%swap3A_44, %swap3A_45, %swap3A_46], %swap3A_49 {strides = array<i32>} : memref<1x3400x33xf32, #tpu.memory_space<vmem>>, vector<1x3400x33xf32>,
    return
  }
  func.func @transform_0(%arg0: i32, %arg1: i32) -> (i32, i32, i32) {
    %c0_i32 = arith.constant 0 : i32
    %c0_i32_0 = arith.constant 0 : i32
    return %arg0, %arg1, %c0_i32 : i32, i32, i32
  }
  func.func @transform_1(%arg0: i32, %arg1: i32) -> (i32, i32, i32) {
    %c0_i32 = arith.constant 0 : i32
    %c0_i32_0 = arith.constant 0 : i32
    return %arg0, %arg1, %c0_i32 : i32, i32, i32
  }
  func.func @transform_2(%arg0: i32, %arg1: i32) -> (i32, i32, i32) {
    %c0_i32 = arith.constant 0 : i32
    %c0_i32_0 = arith.constant 0 : i32
    return %arg0, %arg1, %c0_i32 : i32, i32, i32
  }
  func.func @transform_3(%arg0: i32, %arg1: i32) -> (i32, i32, i32) {
    %c0_i32 = arith.constant 0 : i32
    %c0_i32_0 = arith.constant 0 : i32
    return %arg0, %arg1, %c0_i32 : i32, i32, i32
  }
  func.func @transform_4(%arg0: i32, %arg1: i32) -> (i32, i32, i32) {
    %c0_i32 = arith.constant 0 : i32
    %c0_i32_0 = arith.constant 0 : i32
    return %arg0, %arg1, %c0_i32 : i32, i32, i32
  }
  func.func @transform_5(%arg0: i32, %arg1: i32) -> (i32, i32, i32) {
    %c0_i32 = arith.constant 0 : i32
    %c0_i32_0 = arith.constant 0 : i32
    return %arg0, %arg1, %c0_i32 : i32, i32, i32
  }
}

module attributes {stable_mosaic.version = 14 : i64} {
  func.func @_mask_body(%arg0: i32, %arg1: i32, %arg2: memref<1x40x1xi32, #tpu.memory_space<vmem>>, %arg3: memref<1x1024x128xf32, #tpu.memory_space<vmem>>, %arg4: memref<1x13600x33xf32, #tpu.memory_space<vmem>>, %arg5: memref<1x40x13600xf32, #tpu.memory_space<vmem>>, %arg6: memref<1x40x4xf32, #tpu.memory_space<vmem>>, %arg7: memref<1x40x1xi32, #tpu.memory_space<vmem>>) attributes {dimension_semantics = [#tpu.dimension_semantics<arbitrary>, #tpu.dimension_semantics<arbitrary>], iteration_bounds = array<i64: 2, 25>, scalar_prefetch = 0 : i64, scratch_operands = 0 : i64, tpu.core_type = #tpu.core_type<tc>, window_params = [{transform_indices = @transform_0, window_bounds = array<i64: 1, 40, 1>}, {transform_indices = @transform_1, window_bounds = array<i64: 1, 1024, 128>}, {transform_indices = @transform_2, window_bounds = array<i64: 1, 13600, 33>}, {transform_indices = @transform_3, window_bounds = array<i64: 1, 40, 13600>}, {transform_indices = @transform_4, window_bounds = array<i64: 1, 40, 4>}, {transform_indices = @transform_5, window_bounds = array<i64: 1, 40, 1>}]} {
    %get3A = arith.constant 0 : index
    %get3A_0 = arith.constant 0 : index
    %get3A_1 = arith.constant 0 : index
    %get3A_2 = vector.load %arg2[%get3A, %get3A_0, %get3A_1] : memref<1x40x1xi32, #tpu.memory_space<vmem>>, vector<1x40x1xi32>
    %get3A_3 = vector.shape_cast %get3A_2 : vector<1x40x1xi32> to vector<40x1xi32>
    %jit3A = arith.constant 80 : i32
    %eq3A = arith.constant 0 : i32
    %eq3A_4 = arith.cmpi eq, %jit3A, %eq3A : i32
    %jit3A_5 = arith.constant 1 : i32
    %select_n3A = arith.select %eq3A_4, %jit3A_5, %jit3A : i32
    %rem3A = vector.broadcast %select_n3A : i32 to vector<40x1xi32>
    %rem3A_6 = arith.remsi %get3A_3, %rem3A : vector<40x1xi32>
    %ne3A = arith.constant 0 : i32
    %ne3A_7 = vector.broadcast %ne3A : i32 to vector<40x1xi32>
    %ne3A_8 = arith.cmpi ne, %rem3A_6, %ne3A_7 : vector<40x1xi32>
    %lt3A = arith.constant 0 : i32
    %lt3A_9 = vector.broadcast %lt3A : i32 to vector<40x1xi32>
    %lt3A_10 = arith.cmpi slt, %rem3A_6, %lt3A_9 : vector<40x1xi32>
    %lt3A_11 = arith.constant 0 : i32
    %lt3A_12 = arith.cmpi slt, %select_n3A, %lt3A_11 : i32
    %ne3A_13 = vector.broadcast %lt3A_12 : i1 to vector<40x1xi1>
    %ne3A_14 = vector.broadcast %ne3A_13 : vector<40x1xi1> to vector<40x1xi1>
    %ne3A_15 = arith.xori %lt3A_10, %ne3A_14 : vector<40x1xi1>
    %and3A = arith.andi %ne3A_15, %ne3A_8 : vector<40x1xi1>
    %add3A = vector.broadcast %select_n3A : i32 to vector<40x1xi32>
    %add3A_16 = arith.addi %rem3A_6, %add3A : vector<40x1xi32>
    %select_n3A_17 = arith.select %and3A, %add3A_16, %rem3A_6 : vector<40x1xi1>, vector<40x1xi32>
    %add3A_18 = arith.constant 1 : i32
    %add3A_19 = vector.broadcast %add3A_18 : i32 to vector<40x1xi32>
    %add3A_20 = arith.addi %select_n3A_17, %add3A_19 : vector<40x1xi32>
    %swap3A = arith.constant 0 : index
    %swap3A_21 = arith.constant 0 : index
    %swap3A_22 = arith.constant 0 : index
    %swap3A_23 = vector.load %arg7[%swap3A, %swap3A_21, %swap3A_22] : memref<1x40x1xi32, #tpu.memory_space<vmem>>, vector<1x40x1xi32>
    %swap3A_24 = vector.shape_cast %swap3A_23 : vector<1x40x1xi32> to vector<40x1xi32>
    %swap3A_25 = vector.shape_cast %add3A_20 : vector<40x1xi32> to vector<1x40x1xi32>
    tpu.vector_store %arg7[%swap3A, %swap3A_21, %swap3A_22], %swap3A_25 {strides = array<i32>} : memref<1x40x1xi32, #tpu.memory_space<vmem>>, vector<1x40x1xi32>,
    %jit3A_26 = arith.constant 80 : i32
    %div3A = vector.broadcast %jit3A_26 : i32 to vector<40x1xi32>
    %div3A_27 = arith.divsi %get3A_3, %div3A : vector<40x1xi32>
    %sign3A = arith.constant 0 : i32
    %sign3A_28 = vector.broadcast %sign3A : i32 to vector<40x1xi32>
    %sign3A_29 = arith.cmpi sgt, %get3A_3, %sign3A_28 : vector<40x1xi32>
    %sign3A_30 = arith.extui %sign3A_29 : vector<40x1xi1> to vector<40x1xi32>
    %sign3A_31 = arith.constant 0 : i32
    %sign3A_32 = vector.broadcast %sign3A_31 : i32 to vector<40x1xi32>
    %sign3A_33 = arith.cmpi slt, %get3A_3, %sign3A_32 : vector<40x1xi32>
    %sign3A_34 = arith.extui %sign3A_33 : vector<40x1xi1> to vector<40x1xi32>
    %sign3A_35 = arith.subi %sign3A_30, %sign3A_34 : vector<40x1xi32>
    %sign3A_36 = arith.constant 0 : i32
    %sign3A_37 = arith.cmpi sgt, %jit3A_26, %sign3A_36 : i32
    %sign3A_38 = arith.extui %sign3A_37 : i1 to i32
    %sign3A_39 = arith.constant 0 : i32
    %sign3A_40 = arith.cmpi slt, %jit3A_26, %sign3A_39 : i32
    %sign3A_41 = arith.extui %sign3A_40 : i1 to i32
    %sign3A_42 = arith.subi %sign3A_38, %sign3A_41 : i32
    %ne3A_43 = vector.broadcast %sign3A_42 : i32 to vector<40x1xi32>
    %ne3A_44 = arith.cmpi ne, %sign3A_35, %ne3A_43 : vector<40x1xi32>
    %rem3A_45 = vector.broadcast %jit3A_26 : i32 to vector<40x1xi32>
    %rem3A_46 = arith.remsi %get3A_3, %rem3A_45 : vector<40x1xi32>
    %ne3A_47 = arith.constant 0 : i32
    %ne3A_48 = vector.broadcast %ne3A_47 : i32 to vector<40x1xi32>
    %ne3A_49 = arith.cmpi ne, %rem3A_46, %ne3A_48 : vector<40x1xi32>
    %and3A_50 = arith.andi %ne3A_44, %ne3A_49 : vector<40x1xi1>
    %sub3A = arith.constant 1 : i32
    %sub3A_51 = vector.broadcast %sub3A : i32 to vector<40x1xi32>
    %sub3A_52 = arith.subi %div3A_27, %sub3A_51 : vector<40x1xi32>
    %select_n3A_53 = arith.select %and3A_50, %sub3A_52, %div3A_27 : vector<40x1xi1>, vector<40x1xi32>
    %get3A_54 = arith.constant 0 : index
    %get3A_55 = arith.constant 0 : index
    %get3A_56 = arith.constant 0 : index
    %get3A_57 = vector.load %arg3[%get3A_54, %get3A_55, %get3A_56] : memref<1x1024x128xf32, #tpu.memory_space<vmem>>, vector<1x1024x128xf32>
    %get3A_58 = vector.shape_cast %get3A_57 : vector<1x1024x128xf32> to vector<1024x128xf32>
    %iota3A = tpu.iota {dimensions = array<i32: 1>} : vector<40x1024xi32>
    %eq3A_59 = vector.broadcast %select_n3A_53 : vector<40x1xi32> to vector<40x1024xi32>
    %eq3A_60 = arith.cmpi eq, %iota3A, %eq3A_59 : vector<40x1024xi32>
    %convert_element_type3A = arith.extui %eq3A_60 : vector<40x1024xi1> to vector<40x1024xi32>
    %convert_element_type3A_61 = arith.sitofp %convert_element_type3A : vector<40x1024xi32> to vector<40x1024xf32>
    %dot_general3A = arith.constant dense<0.000000e+00> : vector<40x128xf32>
    %dot_general3A_62 = tpu.matmul %convert_element_type3A_61, %get3A_58, %dot_general3A {dimension_numbers = #tpu.dot_dimension_numbers<[1], [0], [0], [1], [0, 0, 1, 1], [], []>, precision = #tpu.contract_precision<fp32>, transpose_lhs_hint = false} : vector<40x1024xf32>, vector<1024x128xf32>, vector<40x128xf32> -> vector<40x128xf32>
    %slice3A = vector.extract_strided_slice %dot_general3A_62 {offsets = [0, 0], sizes = [40, 1], strides = [1, 1]} : vector<40x128xf32> to vector<40x1xf32>
    %slice3A_63 = vector.extract_strided_slice %dot_general3A_62 {offsets = [0, 1], sizes = [40, 1], strides = [1, 1]} : vector<40x128xf32> to vector<40x1xf32>
    %slice3A_64 = vector.extract_strided_slice %dot_general3A_62 {offsets = [0, 2], sizes = [40, 1], strides = [1, 1]} : vector<40x128xf32> to vector<40x1xf32>
    %sub3A_65 = arith.subf %slice3A, %slice3A_64 : vector<40x1xf32>
    %jit3A_66 = arith.constant 0.000000e+00 : f32
    %jit3A_67 = arith.constant 1.087000e+03 : f32
    %max3A = vector.broadcast %jit3A_66 : f32 to vector<40x1xf32>
    %max3A_68 = arith.maximumf %max3A, %sub3A_65 : vector<40x1xf32>
    %min3A = vector.broadcast %jit3A_67 : f32 to vector<40x1xf32>
    %min3A_69 = arith.minimumf %min3A, %max3A_68 : vector<40x1xf32>
    %slice3A_70 = vector.extract_strided_slice %dot_general3A_62 {offsets = [0, 3], sizes = [40, 1], strides = [1, 1]} : vector<40x128xf32> to vector<40x1xf32>
    %sub3A_71 = arith.subf %slice3A_63, %slice3A_70 : vector<40x1xf32>
    %jit3A_72 = arith.constant 0.000000e+00 : f32
    %jit3A_73 = arith.constant 7.990000e+02 : f32
    %max3A_74 = vector.broadcast %jit3A_72 : f32 to vector<40x1xf32>
    %max3A_75 = arith.maximumf %max3A_74, %sub3A_71 : vector<40x1xf32>
    %min3A_76 = vector.broadcast %jit3A_73 : f32 to vector<40x1xf32>
    %min3A_77 = arith.minimumf %min3A_76, %max3A_75 : vector<40x1xf32>
    %slice3A_78 = vector.extract_strided_slice %dot_general3A_62 {offsets = [0, 4], sizes = [40, 1], strides = [1, 1]} : vector<40x128xf32> to vector<40x1xf32>
    %add3A_79 = arith.addf %slice3A, %slice3A_78 : vector<40x1xf32>
    %jit3A_80 = arith.constant 0.000000e+00 : f32
    %jit3A_81 = arith.constant 1.087000e+03 : f32
    %max3A_82 = vector.broadcast %jit3A_80 : f32 to vector<40x1xf32>
    %max3A_83 = arith.maximumf %max3A_82, %add3A_79 : vector<40x1xf32>
    %min3A_84 = vector.broadcast %jit3A_81 : f32 to vector<40x1xf32>
    %min3A_85 = arith.minimumf %min3A_84, %max3A_83 : vector<40x1xf32>
    %slice3A_86 = vector.extract_strided_slice %dot_general3A_62 {offsets = [0, 5], sizes = [40, 1], strides = [1, 1]} : vector<40x128xf32> to vector<40x1xf32>
    %add3A_87 = arith.addf %slice3A_63, %slice3A_86 : vector<40x1xf32>
    %jit3A_88 = arith.constant 0.000000e+00 : f32
    %jit3A_89 = arith.constant 7.990000e+02 : f32
    %max3A_90 = vector.broadcast %jit3A_88 : f32 to vector<40x1xf32>
    %max3A_91 = arith.maximumf %max3A_90, %add3A_87 : vector<40x1xf32>
    %min3A_92 = vector.broadcast %jit3A_89 : f32 to vector<40x1xf32>
    %min3A_93 = arith.minimumf %min3A_92, %max3A_91 : vector<40x1xf32>
    %concatenate3A = tpu.concatenate %min3A_69, %min3A_77, %min3A_85, %min3A_93 in 1 : vector<40x1xf32>, vector<40x1xf32>, vector<40x1xf32>, vector<40x1xf32> -> vector<40x4xf32>
    %swap3A_94 = arith.constant 0 : index
    %swap3A_95 = arith.constant 0 : index
    %swap3A_96 = arith.constant 0 : index
    %swap3A_97 = vector.load %arg6[%swap3A_94, %swap3A_95, %swap3A_96] : memref<1x40x4xf32, #tpu.memory_space<vmem>>, vector<1x40x4xf32>
    %swap3A_98 = vector.shape_cast %swap3A_97 : vector<1x40x4xf32> to vector<40x4xf32>
    %swap3A_99 = vector.shape_cast %concatenate3A : vector<40x4xf32> to vector<1x40x4xf32>
    tpu.vector_store %arg6[%swap3A_94, %swap3A_95, %swap3A_96], %swap3A_99 {strides = array<i32>} : memref<1x40x4xf32, #tpu.memory_space<vmem>>, vector<1x40x4xf32>,
    %slice3A_100 = vector.extract_strided_slice %dot_general3A_62 {offsets = [0, 6], sizes = [40, 32], strides = [1, 1]} : vector<40x128xf32> to vector<40x32xf32>
    %slice3A_101 = vector.extract_strided_slice %dot_general3A_62 {offsets = [0, 38], sizes = [40, 1], strides = [1, 1]} : vector<40x128xf32> to vector<40x1xf32>
    %mul3A = arith.mulf %slice3A_100, %slice3A_100 : vector<40x32xf32>
    %reduce_sum3A = arith.constant dense<0.000000e+00> : vector<40xf32>
    %reduce_sum3A_102 = vector.multi_reduction <add>, %mul3A, %reduce_sum3A [1] : vector<40x32xf32> to vector<40xf32>
    %broadcast_in_dim3A = vector.shape_cast %reduce_sum3A_102 : vector<40xf32> to vector<40x1xf32>
    %get3A_103 = arith.constant 0 : index
    %get3A_104 = arith.constant 0 : index
    %get3A_105 = arith.constant 0 : index
    %get3A_106 = vector.load %arg4[%get3A_103, %get3A_104, %get3A_105] : memref<1x13600x33xf32, #tpu.memory_space<vmem>>, vector<1x13600x33xf32>
    %get3A_107 = vector.shape_cast %get3A_106 : vector<1x13600x33xf32> to vector<13600x33xf32>
    %mul3A_108 = arith.constant -2.000000e+00 : f32
    %mul3A_109 = vector.broadcast %mul3A_108 : f32 to vector<40x32xf32>
    %mul3A_110 = arith.mulf %mul3A_109, %slice3A_100 : vector<40x32xf32>
    %broadcast_in_dim3A_111 = arith.constant 1.000000e+00 : f32
    %broadcast_in_dim3A_112 = vector.broadcast %broadcast_in_dim3A_111 : f32 to vector<40x1xf32>
    %concatenate3A_113 = tpu.concatenate %mul3A_110, %broadcast_in_dim3A_112 in 1 : vector<40x32xf32>, vector<40x1xf32> -> vector<40x33xf32>
    %dot_general3A_114 = arith.constant dense<0.000000e+00> : vector<40x13600xf32>
    %dot_general3A_115 = tpu.matmul %concatenate3A_113, %get3A_107, %dot_general3A_114 {dimension_numbers = #tpu.dot_dimension_numbers<[1], [1], [0], [0], [0, 0, 1, 0], [], []>, precision = #tpu.contract_precision<fp32>, transpose_lhs_hint = false} : vector<40x33xf32>, vector<13600x33xf32>, vector<40x13600xf32> -> vector<40x13600xf32>
    %add3A_116 = vector.broadcast %broadcast_in_dim3A : vector<40x1xf32> to vector<40x13600xf32>
    %add3A_117 = arith.addf %add3A_116, %dot_general3A_115 : vector<40x13600xf32>
    %neg3A = arith.constant 0.000000e+00 : f32
    %neg3A_118 = vector.broadcast %neg3A : f32 to vector<40x13600xf32>
    %neg3A_119 = arith.subf %neg3A_118, %add3A_117 : vector<40x13600xf32>
    %mul3A_120 = vector.broadcast %slice3A_101 : vector<40x1xf32> to vector<40x13600xf32>
    %mul3A_121 = arith.mulf %neg3A_119, %mul3A_120 : vector<40x13600xf32>
    %exp3A = math.exp %mul3A_121 : vector<40x13600xf32>
    %iota3A_122 = tpu.iota {dimensions = array<i32: 1>} : vector<40x13600xi32>
    %jit3A_123 = arith.constant 136 : i32
    %eq3A_124 = arith.constant 0 : i32
    %eq3A_125 = arith.cmpi eq, %jit3A_123, %eq3A_124 : i32
    %jit3A_126 = arith.constant 1 : i32
    %select_n3A_127 = arith.select %eq3A_125, %jit3A_126, %jit3A_123 : i32
    %rem3A_128 = vector.broadcast %select_n3A_127 : i32 to vector<40x13600xi32>
    %rem3A_129 = arith.remsi %iota3A_122, %rem3A_128 : vector<40x13600xi32>
    %ne3A_130 = arith.constant 0 : i32
    %ne3A_131 = vector.broadcast %ne3A_130 : i32 to vector<40x13600xi32>
    %ne3A_132 = arith.cmpi ne, %rem3A_129, %ne3A_131 : vector<40x13600xi32>
    %lt3A_133 = arith.constant 0 : i32
    %lt3A_134 = vector.broadcast %lt3A_133 : i32 to vector<40x13600xi32>
    %lt3A_135 = arith.cmpi slt, %rem3A_129, %lt3A_134 : vector<40x13600xi32>
    %lt3A_136 = arith.constant 0 : i32
    %lt3A_137 = arith.cmpi slt, %select_n3A_127, %lt3A_136 : i32
    %ne3A_138 = vector.broadcast %lt3A_137 : i1 to vector<40x13600xi1>
    %ne3A_139 = vector.broadcast %ne3A_138 : vector<40x13600xi1> to vector<40x13600xi1>
    %ne3A_140 = arith.xori %lt3A_135, %ne3A_139 : vector<40x13600xi1>
    %and3A_141 = arith.andi %ne3A_140, %ne3A_132 : vector<40x13600xi1>
    %add3A_142 = vector.broadcast %select_n3A_127 : i32 to vector<40x13600xi32>
    %add3A_143 = arith.addi %rem3A_129, %add3A_142 : vector<40x13600xi32>
    %select_n3A_144 = arith.select %and3A_141, %add3A_143, %rem3A_129 : vector<40x13600xi1>, vector<40x13600xi32>
    %convert_element_type3A_145 = arith.sitofp %select_n3A_144 : vector<40x13600xi32> to vector<40x13600xf32>
    %jit3A_146 = arith.constant 136 : i32
    %div3A_147 = vector.broadcast %jit3A_146 : i32 to vector<40x13600xi32>
    %div3A_148 = arith.divsi %iota3A_122, %div3A_147 : vector<40x13600xi32>
    %sign3A_149 = arith.constant 0 : i32
    %sign3A_150 = vector.broadcast %sign3A_149 : i32 to vector<40x13600xi32>
    %sign3A_151 = arith.cmpi sgt, %iota3A_122, %sign3A_150 : vector<40x13600xi32>
    %sign3A_152 = arith.extui %sign3A_151 : vector<40x13600xi1> to vector<40x13600xi32>
    %sign3A_153 = arith.constant 0 : i32
    %sign3A_154 = vector.broadcast %sign3A_153 : i32 to vector<40x13600xi32>
    %sign3A_155 = arith.cmpi slt, %iota3A_122, %sign3A_154 : vector<40x13600xi32>
    %sign3A_156 = arith.extui %sign3A_155 : vector<40x13600xi1> to vector<40x13600xi32>
    %sign3A_157 = arith.subi %sign3A_152, %sign3A_156 : vector<40x13600xi32>
    %sign3A_158 = arith.constant 0 : i32
    %sign3A_159 = arith.cmpi sgt, %jit3A_146, %sign3A_158 : i32
    %sign3A_160 = arith.extui %sign3A_159 : i1 to i32
    %sign3A_161 = arith.constant 0 : i32
    %sign3A_162 = arith.cmpi slt, %jit3A_146, %sign3A_161 : i32
    %sign3A_163 = arith.extui %sign3A_162 : i1 to i32
    %sign3A_164 = arith.subi %sign3A_160, %sign3A_163 : i32
    %ne3A_165 = vector.broadcast %sign3A_164 : i32 to vector<40x13600xi32>
    %ne3A_166 = arith.cmpi ne, %sign3A_157, %ne3A_165 : vector<40x13600xi32>
    %rem3A_167 = vector.broadcast %jit3A_146 : i32 to vector<40x13600xi32>
    %rem3A_168 = arith.remsi %iota3A_122, %rem3A_167 : vector<40x13600xi32>
    %ne3A_169 = arith.constant 0 : i32
    %ne3A_170 = vector.broadcast %ne3A_169 : i32 to vector<40x13600xi32>
    %ne3A_171 = arith.cmpi ne, %rem3A_168, %ne3A_170 : vector<40x13600xi32>
    %and3A_172 = arith.andi %ne3A_166, %ne3A_171 : vector<40x13600xi1>
    %sub3A_173 = arith.constant 1 : i32
    %sub3A_174 = vector.broadcast %sub3A_173 : i32 to vector<40x13600xi32>
    %sub3A_175 = arith.subi %div3A_148, %sub3A_174 : vector<40x13600xi32>
    %select_n3A_176 = arith.select %and3A_172, %sub3A_175, %div3A_148 : vector<40x13600xi1>, vector<40x13600xi32>
    %convert_element_type3A_177 = arith.sitofp %select_n3A_176 : vector<40x13600xi32> to vector<40x13600xf32>
    %mul3A_178 = arith.constant 1.250000e-01 : f32
    %mul3A_179 = vector.broadcast %mul3A_178 : f32 to vector<40x1xf32>
    %mul3A_180 = arith.mulf %min3A_69, %mul3A_179 : vector<40x1xf32>
    %ge3A = vector.broadcast %mul3A_180 : vector<40x1xf32> to vector<40x13600xf32>
    %ge3A_181 = arith.cmpf oge, %convert_element_type3A_145, %ge3A : vector<40x13600xf32>
    %mul3A_182 = arith.constant 1.250000e-01 : f32
    %mul3A_183 = vector.broadcast %mul3A_182 : f32 to vector<40x1xf32>
    %mul3A_184 = arith.mulf %min3A_85, %mul3A_183 : vector<40x1xf32>
    %le3A = vector.broadcast %mul3A_184 : vector<40x1xf32> to vector<40x13600xf32>
    %le3A_185 = arith.cmpf ole, %convert_element_type3A_145, %le3A : vector<40x13600xf32>
    %and3A_186 = arith.andi %ge3A_181, %le3A_185 : vector<40x13600xi1>
    %mul3A_187 = arith.constant 1.250000e-01 : f32
    %mul3A_188 = vector.broadcast %mul3A_187 : f32 to vector<40x1xf32>
    %mul3A_189 = arith.mulf %min3A_77, %mul3A_188 : vector<40x1xf32>
    %ge3A_190 = vector.broadcast %mul3A_189 : vector<40x1xf32> to vector<40x13600xf32>
    %ge3A_191 = arith.cmpf oge, %convert_element_type3A_177, %ge3A_190 : vector<40x13600xf32>
    %and3A_192 = arith.andi %and3A_186, %ge3A_191 : vector<40x13600xi1>
    %mul3A_193 = arith.constant 1.250000e-01 : f32
    %mul3A_194 = vector.broadcast %mul3A_193 : f32 to vector<40x1xf32>
    %mul3A_195 = arith.mulf %min3A_93, %mul3A_194 : vector<40x1xf32>
    %le3A_196 = vector.broadcast %mul3A_195 : vector<40x1xf32> to vector<40x13600xf32>
    %le3A_197 = arith.cmpf ole, %convert_element_type3A_177, %le3A_196 : vector<40x13600xf32>
    %and3A_198 = arith.andi %and3A_192, %le3A_197 : vector<40x13600xi1>
    %convert_element_type3A_199 = arith.extui %and3A_198 : vector<40x13600xi1> to vector<40x13600xi32>
    %convert_element_type3A_200 = arith.sitofp %convert_element_type3A_199 : vector<40x13600xi32> to vector<40x13600xf32>
    %mul3A_201 = arith.mulf %exp3A, %convert_element_type3A_200 : vector<40x13600xf32>
    %swap3A_202 = arith.constant 0 : index
    %swap3A_203 = arith.constant 0 : index
    %swap3A_204 = arith.constant 0 : index
    %swap3A_205 = vector.load %arg5[%swap3A_202, %swap3A_203, %swap3A_204] : memref<1x40x13600xf32, #tpu.memory_space<vmem>>, vector<1x40x13600xf32>
    %swap3A_206 = vector.shape_cast %swap3A_205 : vector<1x40x13600xf32> to vector<40x13600xf32>
    %swap3A_207 = vector.shape_cast %mul3A_201 : vector<40x13600xf32> to vector<1x40x13600xf32>
    tpu.vector_store %arg5[%swap3A_202, %swap3A_203, %swap3A_204], %swap3A_207 {strides = array<i32>} : memref<1x40x13600xf32, #tpu.memory_space<vmem>>, vector<1x40x13600xf32>,
    return
  }
  func.func @transform_0(%arg0: i32, %arg1: i32) -> (i32, i32, i32) {
    %c0_i32 = arith.constant 0 : i32
    %c0_i32_0 = arith.constant 0 : i32
    return %arg0, %arg1, %c0_i32 : i32, i32, i32
  }
  func.func @transform_1(%arg0: i32, %arg1: i32) -> (i32, i32, i32) {
    %c0_i32 = arith.constant 0 : i32
    %c0_i32_0 = arith.constant 0 : i32
    %c0_i32_1 = arith.constant 0 : i32
    return %arg0, %c0_i32, %c0_i32_0 : i32, i32, i32
  }
  func.func @transform_2(%arg0: i32, %arg1: i32) -> (i32, i32, i32) {
    %c0_i32 = arith.constant 0 : i32
    %c0_i32_0 = arith.constant 0 : i32
    %c0_i32_1 = arith.constant 0 : i32
    return %arg0, %c0_i32, %c0_i32_0 : i32, i32, i32
  }
  func.func @transform_3(%arg0: i32, %arg1: i32) -> (i32, i32, i32) {
    %c0_i32 = arith.constant 0 : i32
    %c0_i32_0 = arith.constant 0 : i32
    return %arg0, %arg1, %c0_i32 : i32, i32, i32
  }
  func.func @transform_4(%arg0: i32, %arg1: i32) -> (i32, i32, i32) {
    %c0_i32 = arith.constant 0 : i32
    %c0_i32_0 = arith.constant 0 : i32
    return %arg0, %arg1, %c0_i32 : i32, i32, i32
  }
  func.func @transform_5(%arg0: i32, %arg1: i32) -> (i32, i32, i32) {
    %c0_i32 = arith.constant 0 : i32
    %c0_i32_0 = arith.constant 0 : i32
    return %arg0, %arg1, %c0_i32 : i32, i32, i32
  }
}

</mosaic_0001>

<sc_bundles>
// kernel: kernel.5.cloned.1.call-start
scs
__scs_entry_jumppad:
0x0: {  	(pc) =	sbr.rel $0x88, $3  }
0x1: {  	(tag) =	ssettag $0x0;
	lr =	simm.s32 $0x1  }
0x2: {  	[smem:$0x3F9A] =	sst lr;
	_ =	strace $0xD0000000  }
0x3: {  	_ = 	snop  }
0x4: {  	_ = 	snop  }
0x5: {  	_ = 	snop  }
0x6: {  	_ = 	snop  }
0x7: {  	_ = 	snop  }
__scs_overlays_trampoline_lowered:
0x8: {  	[smem:$0x3FA9] =	sst s0  }
0x9: {  	[smem:$0x3FAA] =	sst s1  }
0xa: {  	[smem:$0x3FAB] =	sst s2  }
0xb: {  	[smem:$0x3FAC] =	sst s3  }
0xc: {  	[smem:$0x3FAD] =	sst s4  }
0xd: {  	[smem:$0x3FAE] =	sst s5  }
0xe: {  	[smem:$0x3FAF] =	sst s6  }
0xf: {  	[smem:$0x3FB0] =	sst s7  }
0x10: {  	[smem:$0x3FB1] =	sst s8  }
0x11: {  	[smem:$0x3FB2] =	sst s9;
	s0 =	simm.s32 @!p0 $0x0  }
0x12: {  	s1 =	sld [smem:$0x3F98];
	s0 =	simm.s32 @p0 $0x1  }
0x13: {  	[smem:$0x3FB3] =	sst s0;
	s0 =	simm.s32 @!p1 $0x0  }
0x14: {  	s2 =	sld [smem:$0x3F97];
	s0 =	simm.s32 @p1 $0x1  }
0x15: {  	[smem:$0x3FB4] =	sst s0;
	s0 =	simm.s32 @!p2 $0x0  }
0x16: {  	s3 =	sld [smem:$0x3FDB];
	s0 =	simm.s32 @p2 $0x1  }
0x17: {  	s4 =	simm.s32 $0x1BF5;
	[smem:$0x3FB6] =	sst s0  }
0x18: {  	s0 =	sld [smem:$0x3F99];
	_ =	swait.ge [sflag:s4], $0x0  }
0x19: {  	s7 =	sld [smem:$0x3F9A]  }
0x1a: {  	s8 =	sadd.s32 $0xFFFFE003, lr  }
0x1b: {  	s9 =	sadd.s32 $0xFFFFFEF7, lr;
	s5 =	simm.s32 $0xFFFFFFFF;
	p2 =	slt.u32 s8, $0xFFFFF086  }
0x1c: {  	p1 =	slt.u32 s9, $0xF7A;
	s5 =	simm.s32 @!p2 $0x0  }
0x1d: {  	s5 =	simm.s32 @p1 $0x1;
	p0 =	seq.s32 s7, s2  }
0x1e: {  	s7 =	smul.u32 @!p0 $0xF7A, s2;
	p2 =	seq.s32 @!p0 s5, $0x0  }
0x1f: {  	s9 =	smul.u32 $0xF7A, s1;
	s8 =	simm.s32 @!p0 $0x1BF5;
	p2 =	por !p2, p0  }
0x20: {  	[sflag:s8] =	ssyncset.s32 @!p0 $0xFFFFF086;
	s6 =	sadd.s32 @!p0 s3, s7;
	s7 =	simm.s32 @!p0 $0x108  }
0x21: {  	s3 =	sadd.s32 s3, s9;
	s6 =	sadd.s32 @!p0 $0x88, s6;
	s7 =	simm.s32 @p2 $0x1082  }
0x22: {  	[simem:s7], [sflag:s8] =	dma.local @!p0 [hbm:s6], $0xF7A  }
0x23: {  	s9 =	sor.u32 $0xD0000000, s2;
	s6 =	simm.s32 $0x108;
	_ =	swait.ge @!p0 [sflag:s8], $0x0  }
0x24: {  	s3 =	sadd.s32 $0x88, s3;
	s6 =	simm.s32 @!p1 $0x1082;
	[sflag:s4] =	ssyncset.s32 $0xFFFFF086  }
0x25: {  	[simem:s6], [sflag:s4] =	dma.local [hbm:s3], $0xF7A  }
0x26: {  	[smem:$0x3F9A] =	sst s1;
	(tag) =	ssettag s2;
	_ =	strace s9  }
0x27: {  	s1 =	sld [smem:$0x3FAA]  }
0x28: {  	s2 =	sld [smem:$0x3FAB]  }
0x29: {  	s4 =	sld [smem:$0x3FAD]  }
0x2a: {  	p0 =	seq.s32 s5, $0x0;
	s5 =	sld [smem:$0x3FAE]  }
0x2b: {  	s6 =	sld [smem:$0x3FAF]  }
0x2c: {  	s7 =	sld [smem:$0x3FB0]  }
0x2d: {  	s3 =	simm.s32 $0x108;
	s8 =	sld [smem:$0x3FB1]  }
0x2e: {  	s3 =	simm.s32 @!p0 $0x1082;
	s9 =	sld [smem:$0x3FB2]  }
0x2f: {  	lr =	sadd.s32 s0, s3;
	s0 =	sld [smem:$0x3FA9]  }
0x30: {  	s3 =	sld [smem:$0x3FAC]  }
0x31: {  	[smem:$0x3FB5] =	sst s10  }
0x32: {  	s10 =	sld [smem:$0x3FB3];
	_ =	sdelay $0x3  }
0x33: {  	p0 =	seq.s32 s10, $0x1;
	s10 =	sld [smem:$0x3FB5];
	_ =	sdelay $0x3  }
0x34: {  	[smem:$0x3FB5] =	sst s10  }
0x35: {  	s10 =	sld [smem:$0x3FB4];
	_ =	sdelay $0x3  }
0x36: {  	p1 =	seq.s32 s10, $0x1;
	s10 =	sld [smem:$0x3FB5];
	_ =	sdelay $0x3  }
0x37: {  	[smem:$0x3FB5] =	sst s10  }
0x38: {  	s10 =	sld [smem:$0x3FB6]  }
0x39: {  	_ = 	snop;
	(pc) =	sbr.ind lr, $3  }
0x3a: {  	_ = 	snop  }
0x3b: {  	_ = 	snop  }
0x3c: {  	p2 =	seq.s32 s10, $0x1;
	s10 =	sld [smem:$0x3FB5]  }
0x3d: {  	_ =	shalt  }
0x3e: {  	_ =	shalt  }
0x3f: {  	_ =	shalt  }
0x40: {  	_ =	shalt  }
0x41: {  	_ =	shalt  }
0x42: {  	_ =	shalt  }
0x43: {  	_ =	shalt  }
0x44: {  	_ =	shalt  }
0x45: {  	_ =	shalt  }
0x46: {  	_ =	shalt  }
0x47: {  	_ =	shalt  }
0x48: {  	_ =	shalt  }
0x49: {  	_ =	shalt  }
0x4a: {  	_ =	shalt  }
0x4b: {  	_ =	shalt  }
0x4c: {  	_ =	shalt  }
0x4d: {  	_ =	shalt  }
0x4e: {  	_ =	shalt  }
0x4f: {  	_ =	shalt  }
0x50: {  	_ =	shalt  }
0x51: {  	_ =	shalt  }
0x52: {  	_ =	shalt  }
0x53: {  	_ =	shalt  }
0x54: {  	_ =	shalt  }
0x55: {  	_ =	shalt  }
0x56: {  	_ =	shalt  }
0x57: {  	_ =	shalt  }
0x58: {  	_ =	shalt  }
0x59: {  	_ =	shalt  }
0x5a: {  	_ =	shalt  }
0x5b: {  	_ =	shalt  }
0x5c: {  	_ =	shalt  }
0x5d: {  	_ =	shalt  }
0x5e: {  	_ =	shalt  }
0x5f: {  	_ =	shalt  }
0x60: {  	_ =	shalt  }
0x61: {  	_ =	shalt  }
0x62: {  	_ =	shalt  }
0x63: {  	_ =	shalt  }
0x64: {  	_ =	shalt  }
0x65: {  	_ =	shalt  }
0x66: {  	_ =	shalt  }
0x67: {  	_ =	shalt  }
0x68: {  	_ =	shalt  }
0x69: {  	_ =	shalt  }
0x6a: {  	_ =	shalt  }
0x6b: {  	_ =	shalt  }
0x6c: {  	_ =	shalt  }
0x6d: {  	_ =	shalt  }
0x6e: {  	_ =	shalt  }
0x6f: {  	_ =	shalt  }
0x70: {  	_ =	shalt  }
0x71: {  	_ =	shalt  }
0x72: {  	_ =	shalt  }
0x73: {  	_ =	shalt  }
0x74: {  	_ =	shalt  }
0x75: {  	_ =	shalt  }
0x76: {  	_ =	shalt  }
0x77: {  	_ =	shalt  }
0x78: {  	_ =	shalt  }
0x79: {  	_ =	shalt  }
0x7a: {  	_ =	shalt  }
0x7b: {  	_ =	shalt  }
0x7c: {  	_ =	shalt  }
0x7d: {  	_ =	shalt  }
0x7e: {  	_ =	shalt  }
0x7f: {  	_ =	shalt  }
0x80: {  	_ =	shalt  }
0x81: {  	_ =	shalt  }
0x82: {  	_ =	shalt  }
0x83: {  	_ =	shalt  }
0x84: {  	_ =	shalt  }
0x85: {  	_ =	shalt  }
0x86: {  	_ =	shalt  }
0x87: {  	_ =	shalt  }
.Lfunc_end0:
.L_simem_size_0:
called_computation_lowered:
.L_overlay_start_0:
0x88: {  	s2 =	sld [smem:$0x3FD9]  }
0x89: {  	s3 =	sld [smem:$0x3FFE];
	_ =	sdelay $0x1  }
0x8a: {  	s1 =	srdreg.scid  }
0x8b: {  	s0 =	sand.u32 $0x1, s1  }
0x8c: {  	s14 =	sshll.u32 s0, $0xA;
	s2 =	sadd.s32 s3, s2  }
0x8d: {  	s2 =	sadd.s32 s2, s14  }
0x8e: {  	[smem:$0x3FC1] =	sst s2  }
0x8f: {  	_ = 	snop  }
0x90: {  	s2 =	sld [smem:$0x3FD0];
	_ =	sdelay $0x2  }
0x91: {  	s15 =	simm.s32 $0xA;
	s4 =	simm.s32 $0x10  }
0x92: {  	[smem:s4], [sflag:s15] =	dma.local [hbm:s2], $0x1  }
0x93: {  	_ =	swait.eq [sflag:s15], $0x1  }
0x94: {  	[sflag:s15] =	ssyncset.done $0x0  }
0x95: {  	s16 =	sld [smem:$0x12];
	[sflag:s15] =	ssyncadd.s32 $0xFFFFFFFF  }
0x96: {  	s17 =	sld [smem:$0x13];
	(tm) =	ssettm $0x1  }
0x97: {  	s18 =	sld [smem:$0x3FFB];
	_ =	sdelay $0x3  }
0x98: {  	_ =	strace s18  }
0x99: {  	s4 =	sld [smem:$0x3FFC];
	_ =	sdelay $0x3  }
0x9a: {  	_ =	strace s4  }
0x9b: {  	s4 =	sld [smem:$0x3FFD];
	_ =	sdelay $0x3  }
0x9c: {  	_ =	strace s4  }
0x9d: {  	_ =	strace $0x8FFFFFFF  }
0x9e: {  	s19 =	sld [smem:$0x3FDB];
	_ =	sdelay $0x1  }
0x9f: {  	s5 =	simm.s32 $_scs_section_size  }
0xa0: {  	s6 =	simm.s32 $_size__tile_overlayer_lowered;
	s7 =	simm.s32 $_tile_overlayer_lowered  }
0xa1: {  	s22 =	simm.s32 $0x1BFF;
	s21 =	sshll.u32 s7, $0x1;
	s4 =	sadd.s32 s5, s19  }
0xa2: {  	s8 =	simm.s32 $0x0;
	s20 =	sshll.u32 s6, $0x1;
	s6 =	sadd.s32 s21, s4  }
0xa3: {  	[timem:s8], [sflag:s22] =	dma.local [hbm:s6], s20  }
0xa4: {  	_ =	swait.ge [sflag:s22], s20  }
0xa5: {  	s5 =	ssub.s32 $0x0, s20;
	[sflag:s22] =	ssyncset.done $0x0  }
0xa6: {  	[sflag:s22] =	ssyncadd.s32 s5;
	_ =	sdelay $0x1  }
0xa7: {  	s23 =	simm.s32 $0x1B8B  }
0xa8: {  	_ =	swait.ge [sflag:s23], $0x1  }
0xa9: {  	[sflag:s23] =	ssyncset.done $0x0  }
0xaa: {  	s25 =	simm.s32 $0x1B8E;
	s24 =	sld [smem:$0x3FFE];
	[sflag:s23] =	ssyncadd.s32 $0xFFFFFFFF  }
0xab: {  	s26 =	simm.s32 $execute0_lowered;
	[smem:$0x3FD2] =	sst s25  }
0xac: {  	s6 =	sshll.u32 s26, $0x1;
	_ =	strace $0x80000046;
	[dreg:$0x1] =	wrdreg $0xFFFFFFFF  }
0xad: {  	s28 =	simm.s32 $_size_execute0_lowered;
	s4 =	sadd.s32 s4, s6;
	[dreg:$0x0] =	wrdreg $0x0  }
0xae: {  	s6 =	sshll.u32 s28, $0x1;
	[dreg:$0x2] =	wrdreg s4  }
0xaf: {  	[dreg:$0x3] =	wrdreg s6  }
0xb0: {  	[dreg:$0x4] =	wrdreg $0xC0  }
0xb1: {  	_ =	task [dreg:s8], $0x5FFFF  }
0xb2: {  	[dreg:$0x1] =	wrdreg $0xFFFFFFFF  }
0xb3: {  	[dreg:$0x0] =	wrdreg $0x60  }
0xb4: {  	[dreg:$0x2] =	wrdreg s24  }
0xb5: {  	[dreg:$0x3] =	wrdreg s16  }
0xb6: {  	[dreg:$0x4] =	wrdreg s17  }
0xb7: {  	[dreg:$0x5] =	wrdreg $0x9  }
0xb8: {  	_ =	task.clear_ibuf [dreg:s8], $0x6FFFF;
	_ =	strace $0x90000046  }
0xb9: {  	s29 =	simm.s32 $0x9;
	_ =	strace $0x80000048  }
0xba: {  	_ =	swait.ge [sflag:s29], $0x1  }
0xbb: {  	[sflag:s29] =	ssyncadd.s32 $0xFFFFFFFF  }
0xbc: {  	_ =	strace $0x90000048  }
0xbd: {  	_ =	sfence  }
0xbe: {  	s30 =	sld [smem:$0x0];
	_ =	sdelay $0x2  }
0xbf: {  	s31 =	sshll.u32 s1, $0xD;
	s1 =	sshrl.u32 s1, $0x2  }
0xc0: {  	s3 =	sand.u32 $0x4000, s31;
	s1 =	sadd.s32 s1, s30  }
0xc1: {  	s0 =	sor.u32 s3, s0;
	s1 =	sshll.u32 s1, $0x11  }
0xc2: {  	s0 =	sor.u32 s1, s0  }
0xc3: {  	s0 =	sadd.s32 $0x8F2B, s0  }
0xc4: {  	[sflag:s0] =	ssyncadd.remote.s32 $0x1  }
0xc5: {  	_ =	sfence.sel $0xFFFF  }
0xc6: {  	[dreg:$0x0] =	wrdreg $0xFFFFFFFF;
	(pc) =	sbr.abs _section_cstart, $3  }
0xc7: {  	[dreg:$0x1] =	wrdreg $0xFFFFFFFF  }
0xc8: {  	_ =	task.clear_ibuf [dreg:s8], $0x2FFFF;
	_ =	strace $0x9FFFFFFF  }
0xc9: {  	(tm) =	ssettm $0x7FFFFFFF  }
tec
execute0_lowered:
.L_overlay_start_1:
0x0: {  	(tag) =	ssettag $0x1  }
0x1: {  	s5 =	rddreg [dreg:$0x0]  }
0x2: {  	s1 =	srdreg.scid;
	s3 =	rddreg [dreg:$0x1]  }
0x3: {  	s0 =	stileid.u32;
	s9 =	rddreg [dreg:$0x2];
	s6 =	sand.u32 $0x1, s1  }
0x4: {  	s2 =	simm.s32 $0x0;
	s4 =	sshll.u32 s0, $0x7;
	s7 =	sshll.u32 s6, $0x6  }
0x5: {  	s8 =	simm.s32 $0x1;
	[smem:$0x7FF] =	sst s2;
	s10 =	sor.u32 s7, s4  }
0x6: {  	s1 =	rddreg [dreg:$0x3];
	_ =	strace $0x80000047;
	s4 =	sshrl.u32 s10, $0x3  }
0x7: {  	s11 =	ssub.s32 $0x2, s6;
	s4 =	sadd.s32 s3, s4;
	s3 =	simm.s32 $0x2  }
0x8: {  	[tilespmem:s2], [sflag:$0x2] =	stream.linear.gather [hbm4b:s4+s2], $0x40, $0x38;
	[tilespmem:$0x2080] =	vst v63  }
0x9: {  	s5 =	sadd.s32 $0x173E00, s5;
	s12 =	sshrl.u32 s11, $0x1;
	_ =	swait.ge [sflag:s3], $0x40  }
0xa: {  	s6 =	simm.s32 $0x40;
	s11 =	ssub.s32 s11, s12;
	[sflag:s3] =	ssyncset.done $0x0  }
0xb: {  	s7 =	simm.s32 $0x80;
	s31 =	smax.u32 s11, $0x1;
	[sflag:s3] =	ssyncadd.s32 $0xFFFFFFC0  }
0xc: {  	[tilespmem:s7], [sflag:$0x1] =	stream.indirect.gather [hbm4b:s5+s6], $0x80, s2, s6, $0xb8;
	[tilespmem:$0x2080] =	vst v63  }
0xd: {  	p0 =	sne.s32 s31, $0x1;
	_ =	swait.ge [sflag:s8], $0x2000  }
.Ltmp0:
0xe: {  	s10 =	sshll.u32 s10, $0x4;
	[sflag:s8] =	ssyncset.done $0x0;
	(pc) =	sbr.rel @!p0 .LBB2_2-.Ltmp0, $4  }
0xf: {  	s9 =	sadd.s32 s9, s10;
	[sflag:s8] =	ssyncadd.s32 $0xFFFFE000  }
0x10: {  	[hbm4b:s9+s2] =	stream.linear.scatter [tilespmem:s7], [sflag:$0x2], $0x2000, $0x38;
	[tilespmem:$0x2080] =	vst v63  }
0x11: {  	_ =	swait.ge [sflag:s3], $0x2000  }
0x12: {  	s10 =	sadd.s32 $0xFFFFFFFF, s31;
	[sflag:s3] =	ssyncset.done $0x0  }
.LBB2_1:
0x13: {  	p0 =	sne.s32 s10, $0x1;
	s10 =	sadd.s32 $0xFFFFFFFF, s10;
	[sflag:s3] =	ssyncadd.s32 $0xFFFFE000  }
0x14: {  	[tilespmem:s2], [sflag:$0x2] =	stream.linear.gather [hbm4b:s4+s2], $0x40, $0x38;
	[tilespmem:$0x2080] =	vst v63  }
0x15: {  	_ =	swait.ge [sflag:s3], $0x40  }
0x16: {  	[sflag:s3] =	ssyncset.done $0x0  }
0x17: {  	[sflag:s3] =	ssyncadd.s32 $0xFFFFFFC0  }
0x18: {  	[tilespmem:s7], [sflag:$0x1] =	stream.indirect.gather [hbm4b:s5+s6], $0x80, s2, s6, $0xb8;
	[tilespmem:$0x2080] =	vst v63  }
0x19: {  	_ =	swait.ge [sflag:s8], $0x2000  }
.Ltmp1:
0x1a: {  	[sflag:s8] =	ssyncset.done $0x0;
	(pc) =	sbr.rel @p0 .LBB2_1-.Ltmp1, $4  }
0x1b: {  	[sflag:s8] =	ssyncadd.s32 $0xFFFFE000  }
0x1c: {  	[hbm4b:s9+s2] =	stream.linear.scatter [tilespmem:s7], [sflag:$0x2], $0x2000, $0x38;
	[tilespmem:$0x2080] =	vst v63  }
0x1d: {  	_ =	swait.ge [sflag:s3], $0x2000  }
0x1e: {  	[sflag:s3] =	ssyncset.done $0x0  }
.LBB2_2:
0x1f: {  	[sflag:s3] =	ssyncadd.s32 $0xFFFFE000  }
0x20: {  	_ =	sfence.sel $0x180000  }
0x21: {  	[bflag:$0x0] =	sbarrier.arrive $0xFFFF  }
0x22: {  	p0 =	sne.s32 s0, $0x0;
	_ =	strace $0x90000047  }
0x23: {  	s0 =	sadd.s32 @!p0 $0x100000, s1;
	[bflag:$0x2] =	sbarrier.arrive $0xFFFF  }
0x24: {  	[sflag:s0] =	ssyncadd.tile.s32 @!p0 $0x1;
	_ =	shalt  }
.Lfunc_end2:
_tile_overlayer_lowered:
.L_overlay_start_2:
0x25: {  	(tag) =	ssettag $0x2  }
0x26: {  	s0 =	rddreg [dreg:$0x0];
	s2 =	stileid.u32  }
0x27: {  	s1 =	rddreg [dreg:$0x1];
	p0 =	sne.s32 s2, $0x0  }
0x28: {  	s3 =	rddreg [dreg:$0x2];
	[bflag:$0x3] =	sbarrier.arrive $0xFFFF;
	s2 =	simm.s32 @!p0 $0x1C02  }
0x29: {  	[timem:s3], [sflag:s2] =	dma.local @!p0 [hbm:s0], s1  }
0x2a: {  	s0 =	simm.s32 @!p0 $0x2  }
0x2b: {  	_ =	swait.ge @!p0 [sflag:s0], s1  }
0x2c: {  	s1 =	ssub.s32 @!p0 $0x0, s1;
	[sflag:s0] =	ssyncset.done @!p0 $0x0  }
0x2d: {  	[sflag:s0] =	ssyncadd.s32 @!p0 s1  }
0x2e: {  	[bflag:$0x3] =	sbarrier.arrive $0xFFFF  }
0x2f: {  	_ =	shalt  }

</sc_bundles>
